<compile_context>
chip_gen: v7x
topology: tpu7x:2x2x1
jax: 0.10.2.dev20260603
libtpu: 0.0.44.dev20260713+nightly
codegen_flags: <defaults>
</compile_context>

<pallas_src>
import functools

import jax
import jax.numpy as jnp
from jax import lax
from jax.experimental import pallas as pl
from jax.experimental.pallas import tpu as pltpu
from jax.experimental.pallas import tpu_sc as plsc

_CHUNK = 128
_LANES = 16


def _unpool_body(n, m, d, half, x_hbm, idx_hbm, out_hbm, idx_v, rows_v, sem):
    cid = lax.axis_index("c")
    sid = lax.axis_index("s")
    del cid
    wid = sid

    scatter_chunks = m // (half * _CHUNK)
    zero_chunks = (n - m) // (half * _CHUNK)

    @pl.when(wid < half)
    def _scatter():
        def chunk(k, carry):
            base = wid * (scatter_chunks * _CHUNK) + k * _CHUNK
            pltpu.sync_copy(idx_hbm.at[pl.ds(base, _CHUNK)], idx_v)
            pltpu.sync_copy(x_hbm.at[pl.ds(base, _CHUNK), :], rows_v)
            pltpu.async_copy(rows_v, out_hbm.at[idx_v], sem).wait()
            return carry

        lax.fori_loop(0, scatter_chunks, chunk, 0)

    @pl.when(wid >= half)
    def _zero_fill():
        zv = jnp.zeros((_LANES,), jnp.float32)

        def zrow(i, carry):
            def zcol(j, c2):
                rows_v[i, pl.ds(j * _LANES, _LANES)] = zv
                return c2

            return lax.fori_loop(0, d // _LANES, zcol, carry)

        lax.fori_loop(0, _CHUNK, zrow, 0)

        def wchunk(k, carry):
            base = m + (wid - half) * (zero_chunks * _CHUNK) + k * _CHUNK
            pltpu.sync_copy(rows_v, out_hbm.at[pl.ds(base, _CHUNK), :])
            return carry

        lax.fori_loop(0, zero_chunks, wchunk, 0)


_COPY_BLOCK = 256
_NBUF = 4


def _copy_body(a_any, out_any, vbuf, insem, outsem):
    n, k = a_any.shape
    nblk = n // _COPY_BLOCK

    def in_dma(j, buf):
        return pltpu.make_async_copy(
            a_any.at[pl.ds(j * _COPY_BLOCK, _COPY_BLOCK), :],
            vbuf.at[buf],
            insem.at[buf],
        )

    def out_dma(j, buf):
        return pltpu.make_async_copy(
            vbuf.at[buf],
            out_any.at[pl.ds(j * _COPY_BLOCK, _COPY_BLOCK), :],
            outsem.at[buf],
        )

    for j in range(_NBUF - 1):
        in_dma(j, j).start()

    def step(i, carry):
        b = lax.rem(i, _NBUF)
        in_dma(i, b).wait()
        out_dma(i, b).start()
        j = i + _NBUF - 1

        @pl.when(j < nblk)
        def _():
            bj = lax.rem(j, _NBUF)

            @pl.when(i >= 1)
            def _():
                out_dma(i - 1, bj).wait()

            in_dma(j, bj).start()

        return carry

    lax.fori_loop(0, nblk, step, 0)
    for j in range(nblk - _NBUF, nblk):
        out_dma(j, j % _NBUF).wait()


def _copy_a(A):
    n, k = A.shape
    assert n % _COPY_BLOCK == 0 and n // _COPY_BLOCK >= _NBUF
    return pl.pallas_call(
        _copy_body,
        in_specs=[pl.BlockSpec(memory_space=pl.ANY)],
        out_specs=pl.BlockSpec(memory_space=pl.ANY),
        out_shape=jax.ShapeDtypeStruct(A.shape, A.dtype),
        scratch_shapes=[
            pltpu.VMEM((_NBUF, _COPY_BLOCK, k), jnp.float32),
            pltpu.SemaphoreType.DMA((_NBUF,)),
            pltpu.SemaphoreType.DMA((_NBUF,)),
        ],
    )(A)


def kernel(A, X, idx):
    n = A.shape[0]
    m, d = X.shape
    info = plsc.get_sparse_core_info()
    nw = info.num_subcores
    half = nw // 2
    assert m % (half * _CHUNK) == 0 and (n - m) % (half * _CHUNK) == 0

    mesh = plsc.VectorSubcoreMesh(core_axis_name="c", subcore_axis_name="s", num_cores=1)
    scatter = pl.kernel(
        functools.partial(_unpool_body, n, m, d, half),
        mesh=mesh,
        out_type=jax.ShapeDtypeStruct((n, d), X.dtype),
        scratch_types=[
            pltpu.VMEM((_CHUNK,), jnp.int32),
            pltpu.VMEM((_CHUNK, d), jnp.float32),
            pltpu.SemaphoreType.DMA,
        ],
    )
    new_X = scatter(X, idx)
    return (_copy_a(A), new_X)

# --- scband reference (transcript-rebuilt; emitter-appended) ---
"""Pipeline reference for scband-graph-unpool-7249904796333 (READ-ONLY COPY).

The authoritative reference and input builder live on the scoring server;
editing this copy changes nothing except your own understanding.
"""

import jax, jax.numpy as jnp
import numpy as np

N = 8192
M = 4096
D = 256

def setup_inputs(seed: int = 0) -> dict:
    key = jax.random.key(seed)
    kA, kX = jax.random.split(key)
    A = jax.random.normal(kA, (N, N), dtype=jnp.float32)
    X = jax.random.normal(kX, (M, D), dtype=jnp.float32)
    idx = jnp.arange(M, dtype=jnp.int32)
    return {"A": A, "X": X, "idx": idx}

def reference(A, X, idx):
    # GraphUnpool: scatter rows of X back into a zero-initialized node feature
    # matrix of size [A.shape[0], X.shape[1]] at positions idx (scatter-overwrite).
    new_X = jnp.zeros((A.shape[0], X.shape[1]), dtype=X.dtype)
    new_X = new_X.at[idx].set(X)
    return (A, new_X)

if __name__ == "__main__":
    import jax
    _d = setup_inputs()
    print(jax.jit(kernel)(*tuple(_d.values())))

</pallas_src>

<mosaic_0001>
#map = affine_map<(d0, d1) -> (0, 0)>
#map1 = affine_map<(d0, d1) -> (0)>
module attributes {stable_mosaic.version = 14 : i64} {
  func.func @_unpool_body(%arg0: i32, %arg1: i32, %arg2: memref<4096x256xf32, #tpu.memory_space<hbm>>, %arg3: memref<4096xi32, #tpu.memory_space<hbm>>, %arg4: memref<8192x256xf32, #tpu.memory_space<hbm>>, %arg5: memref<128xi32, #tpu.memory_space<vmem>>, %arg6: memref<128x256xf32, #tpu.memory_space<vmem>>, %arg7: memref<!tpu.dma_semaphore, #tpu.memory_space<semaphore_mem>>) attributes {dimension_semantics = [#tpu.dimension_semantics<core_parallel>, #tpu.dimension_semantics<subcore_parallel>], iteration_bounds = array<i64: 1, 16>, scalar_prefetch = 0 : i64, scratch_operands = 3 : i64, tpu.core_type = #tpu.core_type<sc_vector_subcore>, window_params = [{transform_indices = #map}, {transform_indices = #map1}, {transform_indices = #map}]} {
    %lt3A = arith.constant 8 : i32
    %lt3A_0 = arith.cmpi slt, %arg1, %lt3A : i32
    %convert_element_type3A = arith.extui %lt3A_0 : i1 to i32
    %cond3A = arith.constant 0 : i32
    %cond3A_1 = arith.cmpi ne, %convert_element_type3A, %cond3A : i32
    scf.if %cond3A_1 {
      %scan3A = arith.constant 0 : i32
      %scan3A_6 = arith.constant 0 : i32
      %scan3A_7 = arith.constant 4 : i32
      %scan3A_8 = arith.addi %scan3A_6, %scan3A_7 : i32
      %scan3A_9 = arith.constant 1 : i32
      scf.for %scan3A_11 = %scan3A_6 to %scan3A_8 step %scan3A_9  : i32 {
        %mul3A = arith.constant 512 : i32
        %mul3A_12 = arith.muli %arg1, %mul3A : i32
        %mul3A_13 = arith.constant 128 : i32
        %mul3A_14 = arith.muli %scan3A_11, %mul3A_13 : i32
        %add3A = arith.addi %mul3A_12, %mul3A_14 : i32
        "tpu.region"() ({
          %run_scoped3A = tpu.sem_alloc : memref<!tpu.dma_semaphore, #tpu.memory_space<semaphore_mem>>
          %dma_start3A_19 = tpu.memref_slice %arg3[%add3A] : memref<4096xi32, #tpu.memory_space<hbm>> -> memref<128xi32, #tpu.memory_space<hbm>>
          %dma_start3A_20 = tpu.memref_slice %arg3[%add3A] : memref<4096xi32, #tpu.memory_space<hbm>> -> memref<128xi32, #tpu.memory_space<hbm>>
          tpu.enqueue_dma source(%dma_start3A_20 : memref<128xi32, #tpu.memory_space<hbm>>) target(%arg5 : memref<128xi32, #tpu.memory_space<vmem>>) target_semaphore(%run_scoped3A : memref<!tpu.dma_semaphore, #tpu.memory_space<semaphore_mem>>)
          %dma_wait3A_21 = tpu.memref_slice %arg3[%add3A] : memref<4096xi32, #tpu.memory_space<hbm>> -> memref<128xi32, #tpu.memory_space<hbm>>
          %dma_wait3A_22 = tpu.memref_slice %arg3[%add3A] : memref<4096xi32, #tpu.memory_space<hbm>> -> memref<128xi32, #tpu.memory_space<hbm>>
          tpu.wait_dma2 semaphore(%run_scoped3A : memref<!tpu.dma_semaphore, #tpu.memory_space<semaphore_mem>>) src(%dma_wait3A_22 : memref<128xi32, #tpu.memory_space<hbm>>) dst(%arg5 : memref<128xi32, #tpu.memory_space<vmem>>)
          tpu.yield
        }) : () -> ()
        "tpu.region"() ({
          %run_scoped3A = tpu.sem_alloc : memref<!tpu.dma_semaphore, #tpu.memory_space<semaphore_mem>>
          %dma_start3A_19 = arith.constant 0 : i32
          %dma_start3A_20 = tpu.memref_slice %arg2[%add3A, %dma_start3A_19] : memref<4096x256xf32, #tpu.memory_space<hbm>> -> memref<128x256xf32, #tpu.memory_space<hbm>>
          %dma_start3A_21 = arith.constant 0 : i32
          %dma_start3A_22 = tpu.memref_slice %arg2[%add3A, %dma_start3A_21] : memref<4096x256xf32, #tpu.memory_space<hbm>> -> memref<128x256xf32, #tpu.memory_space<hbm>>
          tpu.enqueue_dma source(%dma_start3A_22 : memref<128x256xf32, #tpu.memory_space<hbm>>) target(%arg6 : memref<128x256xf32, #tpu.memory_space<vmem>>) target_semaphore(%run_scoped3A : memref<!tpu.dma_semaphore, #tpu.memory_space<semaphore_mem>>)
          %dma_wait3A_23 = arith.constant 0 : i32
          %dma_wait3A_24 = tpu.memref_slice %arg2[%add3A, %dma_wait3A_23] : memref<4096x256xf32, #tpu.memory_space<hbm>> -> memref<128x256xf32, #tpu.memory_space<hbm>>
          %dma_wait3A_25 = arith.constant 0 : i32
          %dma_wait3A_26 = tpu.memref_slice %arg2[%add3A, %dma_wait3A_25] : memref<4096x256xf32, #tpu.memory_space<hbm>> -> memref<128x256xf32, #tpu.memory_space<hbm>>
          tpu.wait_dma2 semaphore(%run_scoped3A : memref<!tpu.dma_semaphore, #tpu.memory_space<semaphore_mem>>) src(%dma_wait3A_26 : memref<128x256xf32, #tpu.memory_space<hbm>>) dst(%arg6 : memref<128x256xf32, #tpu.memory_space<vmem>>)
          tpu.yield
        }) : () -> ()
        %dma_start3A = arith.constant 0 : i32
        %dma_start3A_15 = arith.constant 0 : i32
        %dma_start3A_16 = tpu.memref_slice %arg4[%dma_start3A, %dma_start3A_15] : memref<8192x256xf32, #tpu.memory_space<hbm>> -> memref<8192x256xf32, #tpu.memory_space<hbm>>
        tpu.enqueue_indirect_dma source(%arg6 : memref<128x256xf32, #tpu.memory_space<vmem>>) target(%dma_start3A_16 : memref<8192x256xf32, #tpu.memory_space<hbm>>) offsets(%arg5 : memref<128xi32, #tpu.memory_space<vmem>>) semaphore(%arg7 : memref<!tpu.dma_semaphore, #tpu.memory_space<semaphore_mem>>)
        %dma_wait3A = arith.constant 0 : i32
        %dma_wait3A_17 = arith.constant 0 : i32
        %dma_wait3A_18 = tpu.memref_slice %arg4[%dma_wait3A, %dma_wait3A_17] : memref<8192x256xf32, #tpu.memory_space<hbm>> -> memref<8192x256xf32, #tpu.memory_space<hbm>>
        tpu.wait_indirect_dma semaphore(%arg7 : memref<!tpu.dma_semaphore, #tpu.memory_space<semaphore_mem>>) src(%arg6 : memref<128x256xf32, #tpu.memory_space<vmem>>) dst(%dma_wait3A_18 : memref<8192x256xf32, #tpu.memory_space<hbm>>)
      }
      %scan3A_10 = arith.constant 4 : i32
    } else {
    }
    %ge3A = arith.constant 8 : i32
    %ge3A_2 = arith.cmpi sge, %arg1, %ge3A : i32
    %convert_element_type3A_3 = arith.extui %ge3A_2 : i1 to i32
    %cond3A_4 = arith.constant 0 : i32
    %cond3A_5 = arith.cmpi ne, %convert_element_type3A_3, %cond3A_4 : i32
    scf.if %cond3A_5 {
      %broadcast_in_dim3A = arith.constant 0.000000e+00 : f32
      %broadcast_in_dim3A_6 = vector.broadcast %broadcast_in_dim3A : f32 to vector<16xf32>
      %scan3A = arith.constant 0 : i32
      %scan3A_7 = arith.constant 0 : i32
      %scan3A_8 = arith.constant 128 : i32
      %scan3A_9 = arith.addi %scan3A_7, %scan3A_8 : i32
      %scan3A_10 = arith.constant 1 : i32
      scf.for %scan3A_18 = %scan3A_7 to %scan3A_9 step %scan3A_10  : i32 {
        %scan3A_19 = arith.constant 0 : i32
        %scan3A_20 = arith.constant 16 : i32
        %scan3A_21 = arith.addi %scan3A_19, %scan3A_20 : i32
        %scan3A_22 = arith.constant 1 : i32
        scf.for %scan3A_24 = %scan3A_19 to %scan3A_21 step %scan3A_22  : i32 {
          %mul3A = arith.constant 16 : i32
          %mul3A_25 = arith.muli %scan3A_24, %mul3A : i32
          %swap3A = arith.index_cast %scan3A_18 : i32 to index
          %swap3A_26 = arith.index_cast %mul3A_25 : i32 to index
          %swap3A_27 = tpu.vector_load %arg6[%swap3A, %swap3A_26] {strides = array<i32>} : memref<128x256xf32, #tpu.memory_space<vmem>>, vector<1x16xf32>,
          %swap3A_28 = vector.shape_cast %swap3A_27 : vector<1x16xf32> to vector<16xf32>
          %swap3A_29 = vector.shape_cast %broadcast_in_dim3A_6 : vector<16xf32> to vector<1x16xf32>
          tpu.vector_store %arg6[%swap3A, %swap3A_26], %swap3A_29 {strides = array<i32>} : memref<128x256xf32, #tpu.memory_space<vmem>>, vector<1x16xf32>,
        }
        %scan3A_23 = arith.constant 16 : i32
      }
      %scan3A_11 = arith.constant 128 : i32
      %scan3A_12 = arith.constant 0 : i32
      %scan3A_13 = arith.constant 0 : i32
      %scan3A_14 = arith.constant 4 : i32
      %scan3A_15 = arith.addi %scan3A_13, %scan3A_14 : i32
      %scan3A_16 = arith.constant 1 : i32
      scf.for %scan3A_18 = %scan3A_13 to %scan3A_15 step %scan3A_16  : i32 {
        %sub3A = arith.constant 8 : i32
        %sub3A_19 = arith.subi %arg1, %sub3A : i32
        %mul3A = arith.constant 512 : i32
        %mul3A_20 = arith.muli %sub3A_19, %mul3A : i32
        %add3A = arith.constant 4096 : i32
        %add3A_21 = arith.addi %add3A, %mul3A_20 : i32
        %mul3A_22 = arith.constant 128 : i32
        %mul3A_23 = arith.muli %scan3A_18, %mul3A_22 : i32
        %add3A_24 = arith.addi %add3A_21, %mul3A_23 : i32
        "tpu.region"() ({
          %run_scoped3A = tpu.sem_alloc : memref<!tpu.dma_semaphore, #tpu.memory_space<semaphore_mem>>
          %dma_start3A = arith.constant 0 : i32
          %dma_start3A_25 = tpu.memref_slice %arg4[%add3A_24, %dma_start3A] : memref<8192x256xf32, #tpu.memory_space<hbm>> -> memref<128x256xf32, #tpu.memory_space<hbm>>
          %dma_start3A_26 = arith.constant 0 : i32
          %dma_start3A_27 = tpu.memref_slice %arg4[%add3A_24, %dma_start3A_26] : memref<8192x256xf32, #tpu.memory_space<hbm>> -> memref<128x256xf32, #tpu.memory_space<hbm>>
          tpu.enqueue_dma source(%arg6 : memref<128x256xf32, #tpu.memory_space<vmem>>) target(%dma_start3A_27 : memref<128x256xf32, #tpu.memory_space<hbm>>) target_semaphore(%run_scoped3A : memref<!tpu.dma_semaphore, #tpu.memory_space<semaphore_mem>>)
          %dma_wait3A = arith.constant 0 : i32
          %dma_wait3A_28 = tpu.memref_slice %arg4[%add3A_24, %dma_wait3A] : memref<8192x256xf32, #tpu.memory_space<hbm>> -> memref<128x256xf32, #tpu.memory_space<hbm>>
          %dma_wait3A_29 = arith.constant 0 : i32
          %dma_wait3A_30 = tpu.memref_slice %arg4[%add3A_24, %dma_wait3A_29] : memref<8192x256xf32, #tpu.memory_space<hbm>> -> memref<128x256xf32, #tpu.memory_space<hbm>>
          tpu.wait_dma2 semaphore(%run_scoped3A : memref<!tpu.dma_semaphore, #tpu.memory_space<semaphore_mem>>) src(%arg6 : memref<128x256xf32, #tpu.memory_space<vmem>>) dst(%dma_wait3A_30 : memref<128x256xf32, #tpu.memory_space<hbm>>)
          tpu.yield
        }) : () -> ()
      }
      %scan3A_17 = arith.constant 4 : i32
    } else {
    }
    return
  }
}

module attributes {stable_mosaic.version = 14 : i64} {
  func.func @_copy_body(%arg0: memref<8192x8192xf32, #tpu.memory_space<any>>, %arg1: memref<8192x8192xf32, #tpu.memory_space<any>>, %arg2: memref<4x256x8192xf32, #tpu.memory_space<vmem>>, %arg3: memref<4x!tpu.dma_semaphore, #tpu.memory_space<semaphore_mem>>, %arg4: memref<4x!tpu.dma_semaphore, #tpu.memory_space<semaphore_mem>>) attributes {dimension_semantics = [], scalar_prefetch = 0 : i64, scratch_operands = 3 : i64, tpu.core_type = #tpu.core_type<tc>} {
    %dma_start3A = arith.constant 0 : i32
    %dma_start3A_0 = arith.constant 0 : i32
    %dma_start3A_1 = tpu.memref_slice %arg3[%dma_start3A_0] : memref<4x!tpu.dma_semaphore, #tpu.memory_space<semaphore_mem>> -> memref<1x!tpu.dma_semaphore, #tpu.memory_space<semaphore_mem>>
    %dma_start3A_2 = tpu.memref_squeeze %dma_start3A_1 : memref<1x!tpu.dma_semaphore, #tpu.memory_space<semaphore_mem>> -> memref<!tpu.dma_semaphore, #tpu.memory_space<semaphore_mem>>
    %dma_start3A_3 = arith.constant 0 : i32
    %dma_start3A_4 = arith.constant 0 : i32
    %dma_start3A_5 = tpu.memref_slice %arg2[%dma_start3A, %dma_start3A_3, %dma_start3A_4] : memref<4x256x8192xf32, #tpu.memory_space<vmem>> -> memref<1x256x8192xf32, #tpu.memory_space<vmem>>
    %dma_start3A_6 = tpu.memref_squeeze %dma_start3A_5 : memref<1x256x8192xf32, #tpu.memory_space<vmem>> -> memref<256x8192xf32, #tpu.memory_space<vmem>>
    %dma_start3A_7 = arith.constant 0 : i32
    %dma_start3A_8 = arith.constant 0 : i32
    %dma_start3A_9 = tpu.memref_slice %arg0[%dma_start3A_7, %dma_start3A_8] : memref<8192x8192xf32, #tpu.memory_space<any>> -> memref<256x8192xf32, #tpu.memory_space<any>>
    tpu.enqueue_dma source(%dma_start3A_9 : memref<256x8192xf32, #tpu.memory_space<any>>) target(%dma_start3A_6 : memref<256x8192xf32, #tpu.memory_space<vmem>>) target_semaphore(%dma_start3A_2 : memref<!tpu.dma_semaphore, #tpu.memory_space<semaphore_mem>>)
    %dma_start3A_10 = arith.constant 1 : i32
    %dma_start3A_11 = arith.constant 1 : i32
    %dma_start3A_12 = tpu.memref_slice %arg3[%dma_start3A_11] : memref<4x!tpu.dma_semaphore, #tpu.memory_space<semaphore_mem>> -> memref<1x!tpu.dma_semaphore, #tpu.memory_space<semaphore_mem>>
    %dma_start3A_13 = tpu.memref_squeeze %dma_start3A_12 : memref<1x!tpu.dma_semaphore, #tpu.memory_space<semaphore_mem>> -> memref<!tpu.dma_semaphore, #tpu.memory_space<semaphore_mem>>
    %dma_start3A_14 = arith.constant 0 : i32
    %dma_start3A_15 = arith.constant 0 : i32
    %dma_start3A_16 = tpu.memref_slice %arg2[%dma_start3A_10, %dma_start3A_14, %dma_start3A_15] : memref<4x256x8192xf32, #tpu.memory_space<vmem>> -> memref<1x256x8192xf32, #tpu.memory_space<vmem>>
    %dma_start3A_17 = tpu.memref_squeeze %dma_start3A_16 : memref<1x256x8192xf32, #tpu.memory_space<vmem>> -> memref<256x8192xf32, #tpu.memory_space<vmem>>
    %dma_start3A_18 = arith.constant 256 : i32
    %dma_start3A_19 = arith.constant 0 : i32
    %dma_start3A_20 = tpu.memref_slice %arg0[%dma_start3A_18, %dma_start3A_19] : memref<8192x8192xf32, #tpu.memory_space<any>> -> memref<256x8192xf32, #tpu.memory_space<any>>
    tpu.enqueue_dma source(%dma_start3A_20 : memref<256x8192xf32, #tpu.memory_space<any>>) target(%dma_start3A_17 : memref<256x8192xf32, #tpu.memory_space<vmem>>) target_semaphore(%dma_start3A_13 : memref<!tpu.dma_semaphore, #tpu.memory_space<semaphore_mem>>)
    %dma_start3A_21 = arith.constant 2 : i32
    %dma_start3A_22 = arith.constant 2 : i32
    %dma_start3A_23 = tpu.memref_slice %arg3[%dma_start3A_22] : memref<4x!tpu.dma_semaphore, #tpu.memory_space<semaphore_mem>> -> memref<1x!tpu.dma_semaphore, #tpu.memory_space<semaphore_mem>>
    %dma_start3A_24 = tpu.memref_squeeze %dma_start3A_23 : memref<1x!tpu.dma_semaphore, #tpu.memory_space<semaphore_mem>> -> memref<!tpu.dma_semaphore, #tpu.memory_space<semaphore_mem>>
    %dma_start3A_25 = arith.constant 0 : i32
    %dma_start3A_26 = arith.constant 0 : i32
    %dma_start3A_27 = tpu.memref_slice %arg2[%dma_start3A_21, %dma_start3A_25, %dma_start3A_26] : memref<4x256x8192xf32, #tpu.memory_space<vmem>> -> memref<1x256x8192xf32, #tpu.memory_space<vmem>>
    %dma_start3A_28 = tpu.memref_squeeze %dma_start3A_27 : memref<1x256x8192xf32, #tpu.memory_space<vmem>> -> memref<256x8192xf32, #tpu.memory_space<vmem>>
    %dma_start3A_29 = arith.constant 512 : i32
    %dma_start3A_30 = arith.constant 0 : i32
    %dma_start3A_31 = tpu.memref_slice %arg0[%dma_start3A_29, %dma_start3A_30] : memref<8192x8192xf32, #tpu.memory_space<any>> -> memref<256x8192xf32, #tpu.memory_space<any>>
    tpu.enqueue_dma source(%dma_start3A_31 : memref<256x8192xf32, #tpu.memory_space<any>>) target(%dma_start3A_28 : memref<256x8192xf32, #tpu.memory_space<vmem>>) target_semaphore(%dma_start3A_24 : memref<!tpu.dma_semaphore, #tpu.memory_space<semaphore_mem>>)
    %scan3A = arith.constant 0 : i32
    %scan3A_32 = arith.constant 32 : i32
    %scan3A_33 = arith.addi %scan3A, %scan3A_32 : i32
    %scan3A_34 = arith.constant 1 : i32
    scf.for %scan3A_79 = %scan3A to %scan3A_33 step %scan3A_34  : i32 {
      %rem3A = arith.constant 4 : i32
      %rem3A_80 = arith.remsi %scan3A_79, %rem3A : i32
      %mul3A = arith.constant 256 : i32
      %mul3A_81 = arith.muli %scan3A_79, %mul3A : i32
      %dma_wait3A_82 = tpu.memref_slice %arg3[%rem3A_80] : memref<4x!tpu.dma_semaphore, #tpu.memory_space<semaphore_mem>> -> memref<1x!tpu.dma_semaphore, #tpu.memory_space<semaphore_mem>>
      %dma_wait3A_83 = tpu.memref_squeeze %dma_wait3A_82 : memref<1x!tpu.dma_semaphore, #tpu.memory_space<semaphore_mem>> -> memref<!tpu.dma_semaphore, #tpu.memory_space<semaphore_mem>>
      %dma_wait3A_84 = arith.constant 0 : i32
      %dma_wait3A_85 = arith.constant 0 : i32
      %dma_wait3A_86 = tpu.memref_slice %arg2[%rem3A_80, %dma_wait3A_84, %dma_wait3A_85] : memref<4x256x8192xf32, #tpu.memory_space<vmem>> -> memref<1x256x8192xf32, #tpu.memory_space<vmem>>
      %dma_wait3A_87 = tpu.memref_squeeze %dma_wait3A_86 : memref<1x256x8192xf32, #tpu.memory_space<vmem>> -> memref<256x8192xf32, #tpu.memory_space<vmem>>
      %dma_wait3A_88 = arith.constant 0 : i32
      %dma_wait3A_89 = tpu.memref_slice %arg0[%mul3A_81, %dma_wait3A_88] : memref<8192x8192xf32, #tpu.memory_space<any>> -> memref<256x8192xf32, #tpu.memory_space<any>>
      tpu.wait_dma2 semaphore(%dma_wait3A_83 : memref<!tpu.dma_semaphore, #tpu.memory_space<semaphore_mem>>) src(%dma_wait3A_89 : memref<256x8192xf32, #tpu.memory_space<any>>) dst(%dma_wait3A_87 : memref<256x8192xf32, #tpu.memory_space<vmem>>)
      %mul3A_90 = arith.constant 256 : i32
      %mul3A_91 = arith.muli %scan3A_79, %mul3A_90 : i32
      %dma_start3A_92 = tpu.memref_slice %arg4[%rem3A_80] : memref<4x!tpu.dma_semaphore, #tpu.memory_space<semaphore_mem>> -> memref<1x!tpu.dma_semaphore, #tpu.memory_space<semaphore_mem>>
      %dma_start3A_93 = tpu.memref_squeeze %dma_start3A_92 : memref<1x!tpu.dma_semaphore, #tpu.memory_space<semaphore_mem>> -> memref<!tpu.dma_semaphore, #tpu.memory_space<semaphore_mem>>
      %dma_start3A_94 = arith.constant 0 : i32
      %dma_start3A_95 = tpu.memref_slice %arg1[%mul3A_91, %dma_start3A_94] : memref<8192x8192xf32, #tpu.memory_space<any>> -> memref<256x8192xf32, #tpu.memory_space<any>>
      %dma_start3A_96 = arith.constant 0 : i32
      %dma_start3A_97 = arith.constant 0 : i32
      %dma_start3A_98 = tpu.memref_slice %arg2[%rem3A_80, %dma_start3A_96, %dma_start3A_97] : memref<4x256x8192xf32, #tpu.memory_space<vmem>> -> memref<1x256x8192xf32, #tpu.memory_space<vmem>>
      %dma_start3A_99 = tpu.memref_squeeze %dma_start3A_98 : memref<1x256x8192xf32, #tpu.memory_space<vmem>> -> memref<256x8192xf32, #tpu.memory_space<vmem>>
      tpu.enqueue_dma source(%dma_start3A_99 : memref<256x8192xf32, #tpu.memory_space<vmem>>) target(%dma_start3A_95 : memref<256x8192xf32, #tpu.memory_space<any>>) target_semaphore(%dma_start3A_93 : memref<!tpu.dma_semaphore, #tpu.memory_space<semaphore_mem>>)
      %add3A = arith.constant 4 : i32
      %add3A_100 = arith.addi %scan3A_79, %add3A : i32
      %sub3A = arith.constant 1 : i32
      %sub3A_101 = arith.subi %add3A_100, %sub3A : i32
      %lt3A = arith.constant 32 : i32
      %lt3A_102 = arith.cmpi slt, %sub3A_101, %lt3A : i32
      %convert_element_type3A = arith.extui %lt3A_102 : i1 to i32
      %cond3A = arith.constant 0 : i32
      %cond3A_103 = arith.cmpi ne, %convert_element_type3A, %cond3A : i32
      scf.if %cond3A_103 {
        %rem3A_104 = arith.constant 4 : i32
        %rem3A_105 = arith.remsi %sub3A_101, %rem3A_104 : i32
        %ge3A = arith.constant 1 : i32
        %ge3A_106 = arith.cmpi sge, %scan3A_79, %ge3A : i32
        %convert_element_type3A_107 = arith.extui %ge3A_106 : i1 to i32
        %cond3A_108 = arith.constant 0 : i32
        %cond3A_109 = arith.cmpi ne, %convert_element_type3A_107, %cond3A_108 : i32
        scf.if %cond3A_109 {
          %sub3A_120 = arith.constant 1 : i32
          %sub3A_121 = arith.subi %scan3A_79, %sub3A_120 : i32
          %mul3A_122 = arith.constant 256 : i32
          %mul3A_123 = arith.muli %sub3A_121, %mul3A_122 : i32
          %dma_wait3A_124 = tpu.memref_slice %arg4[%rem3A_105] : memref<4x!tpu.dma_semaphore, #tpu.memory_space<semaphore_mem>> -> memref<1x!tpu.dma_semaphore, #tpu.memory_space<semaphore_mem>>
          %dma_wait3A_125 = tpu.memref_squeeze %dma_wait3A_124 : memref<1x!tpu.dma_semaphore, #tpu.memory_space<semaphore_mem>> -> memref<!tpu.dma_semaphore, #tpu.memory_space<semaphore_mem>>
          %dma_wait3A_126 = arith.constant 0 : i32
          %dma_wait3A_127 = tpu.memref_slice %arg1[%mul3A_123, %dma_wait3A_126] : memref<8192x8192xf32, #tpu.memory_space<any>> -> memref<256x8192xf32, #tpu.memory_space<any>>
          %dma_wait3A_128 = arith.constant 0 : i32
          %dma_wait3A_129 = arith.constant 0 : i32
          %dma_wait3A_130 = tpu.memref_slice %arg2[%rem3A_105, %dma_wait3A_128, %dma_wait3A_129] : memref<4x256x8192xf32, #tpu.memory_space<vmem>> -> memref<1x256x8192xf32, #tpu.memory_space<vmem>>
          %dma_wait3A_131 = tpu.memref_squeeze %dma_wait3A_130 : memref<1x256x8192xf32, #tpu.memory_space<vmem>> -> memref<256x8192xf32, #tpu.memory_space<vmem>>
          tpu.wait_dma2 semaphore(%dma_wait3A_125 : memref<!tpu.dma_semaphore, #tpu.memory_space<semaphore_mem>>) src(%dma_wait3A_131 : memref<256x8192xf32, #tpu.memory_space<vmem>>) dst(%dma_wait3A_127 : memref<256x8192xf32, #tpu.memory_space<any>>)
        } else {
        }
        %mul3A_110 = arith.constant 256 : i32
        %mul3A_111 = arith.muli %sub3A_101, %mul3A_110 : i32
        %dma_start3A_112 = tpu.memref_slice %arg3[%rem3A_105] : memref<4x!tpu.dma_semaphore, #tpu.memory_space<semaphore_mem>> -> memref<1x!tpu.dma_semaphore, #tpu.memory_space<semaphore_mem>>
        %dma_start3A_113 = tpu.memref_squeeze %dma_start3A_112 : memref<1x!tpu.dma_semaphore, #tpu.memory_space<semaphore_mem>> -> memref<!tpu.dma_semaphore, #tpu.memory_space<semaphore_mem>>
        %dma_start3A_114 = arith.constant 0 : i32
        %dma_start3A_115 = arith.constant 0 : i32
        %dma_start3A_116 = tpu.memref_slice %arg2[%rem3A_105, %dma_start3A_114, %dma_start3A_115] : memref<4x256x8192xf32, #tpu.memory_space<vmem>> -> memref<1x256x8192xf32, #tpu.memory_space<vmem>>
        %dma_start3A_117 = tpu.memref_squeeze %dma_start3A_116 : memref<1x256x8192xf32, #tpu.memory_space<vmem>> -> memref<256x8192xf32, #tpu.memory_space<vmem>>
        %dma_start3A_118 = arith.constant 0 : i32
        %dma_start3A_119 = tpu.memref_slice %arg0[%mul3A_111, %dma_start3A_118] : memref<8192x8192xf32, #tpu.memory_space<any>> -> memref<256x8192xf32, #tpu.memory_space<any>>
        tpu.enqueue_dma source(%dma_start3A_119 : memref<256x8192xf32, #tpu.memory_space<any>>) target(%dma_start3A_117 : memref<256x8192xf32, #tpu.memory_space<vmem>>) target_semaphore(%dma_start3A_113 : memref<!tpu.dma_semaphore, #tpu.memory_space<semaphore_mem>>)
      } else {
      }
    }
    %scan3A_35 = arith.constant 32 : i32
    %dma_wait3A = arith.constant 0 : i32
    %dma_wait3A_36 = arith.constant 0 : i32
    %dma_wait3A_37 = tpu.memref_slice %arg4[%dma_wait3A_36] : memref<4x!tpu.dma_semaphore, #tpu.memory_space<semaphore_mem>> -> memref<1x!tpu.dma_semaphore, #tpu.memory_space<semaphore_mem>>
    %dma_wait3A_38 = tpu.memref_squeeze %dma_wait3A_37 : memref<1x!tpu.dma_semaphore, #tpu.memory_space<semaphore_mem>> -> memref<!tpu.dma_semaphore, #tpu.memory_space<semaphore_mem>>
    %dma_wait3A_39 = arith.constant 7168 : i32
    %dma_wait3A_40 = arith.constant 0 : i32
    %dma_wait3A_41 = tpu.memref_slice %arg1[%dma_wait3A_39, %dma_wait3A_40] : memref<8192x8192xf32, #tpu.memory_space<any>> -> memref<256x8192xf32, #tpu.memory_space<any>>
    %dma_wait3A_42 = arith.constant 0 : i32
    %dma_wait3A_43 = arith.constant 0 : i32
    %dma_wait3A_44 = tpu.memref_slice %arg2[%dma_wait3A, %dma_wait3A_42, %dma_wait3A_43] : memref<4x256x8192xf32, #tpu.memory_space<vmem>> -> memref<1x256x8192xf32, #tpu.memory_space<vmem>>
    %dma_wait3A_45 = tpu.memref_squeeze %dma_wait3A_44 : memref<1x256x8192xf32, #tpu.memory_space<vmem>> -> memref<256x8192xf32, #tpu.memory_space<vmem>>
    tpu.wait_dma2 semaphore(%dma_wait3A_38 : memref<!tpu.dma_semaphore, #tpu.memory_space<semaphore_mem>>) src(%dma_wait3A_45 : memref<256x8192xf32, #tpu.memory_space<vmem>>) dst(%dma_wait3A_41 : memref<256x8192xf32, #tpu.memory_space<any>>)
    %dma_wait3A_46 = arith.constant 1 : i32
    %dma_wait3A_47 = arith.constant 1 : i32
    %dma_wait3A_48 = tpu.memref_slice %arg4[%dma_wait3A_47] : memref<4x!tpu.dma_semaphore, #tpu.memory_space<semaphore_mem>> -> memref<1x!tpu.dma_semaphore, #tpu.memory_space<semaphore_mem>>
    %dma_wait3A_49 = tpu.memref_squeeze %dma_wait3A_48 : memref<1x!tpu.dma_semaphore, #tpu.memory_space<semaphore_mem>> -> memref<!tpu.dma_semaphore, #tpu.memory_space<semaphore_mem>>
    %dma_wait3A_50 = arith.constant 7424 : i32
    %dma_wait3A_51 = arith.constant 0 : i32
    %dma_wait3A_52 = tpu.memref_slice %arg1[%dma_wait3A_50, %dma_wait3A_51] : memref<8192x8192xf32, #tpu.memory_space<any>> -> memref<256x8192xf32, #tpu.memory_space<any>>
    %dma_wait3A_53 = arith.constant 0 : i32
    %dma_wait3A_54 = arith.constant 0 : i32
    %dma_wait3A_55 = tpu.memref_slice %arg2[%dma_wait3A_46, %dma_wait3A_53, %dma_wait3A_54] : memref<4x256x8192xf32, #tpu.memory_space<vmem>> -> memref<1x256x8192xf32, #tpu.memory_space<vmem>>
    %dma_wait3A_56 = tpu.memref_squeeze %dma_wait3A_55 : memref<1x256x8192xf32, #tpu.memory_space<vmem>> -> memref<256x8192xf32, #tpu.memory_space<vmem>>
    tpu.wait_dma2 semaphore(%dma_wait3A_49 : memref<!tpu.dma_semaphore, #tpu.memory_space<semaphore_mem>>) src(%dma_wait3A_56 : memref<256x8192xf32, #tpu.memory_space<vmem>>) dst(%dma_wait3A_52 : memref<256x8192xf32, #tpu.memory_space<any>>)
    %dma_wait3A_57 = arith.constant 2 : i32
    %dma_wait3A_58 = arith.constant 2 : i32
    %dma_wait3A_59 = tpu.memref_slice %arg4[%dma_wait3A_58] : memref<4x!tpu.dma_semaphore, #tpu.memory_space<semaphore_mem>> -> memref<1x!tpu.dma_semaphore, #tpu.memory_space<semaphore_mem>>
    %dma_wait3A_60 = tpu.memref_squeeze %dma_wait3A_59 : memref<1x!tpu.dma_semaphore, #tpu.memory_space<semaphore_mem>> -> memref<!tpu.dma_semaphore, #tpu.memory_space<semaphore_mem>>
    %dma_wait3A_61 = arith.constant 7680 : i32
    %dma_wait3A_62 = arith.constant 0 : i32
    %dma_wait3A_63 = tpu.memref_slice %arg1[%dma_wait3A_61, %dma_wait3A_62] : memref<8192x8192xf32, #tpu.memory_space<any>> -> memref<256x8192xf32, #tpu.memory_space<any>>
    %dma_wait3A_64 = arith.constant 0 : i32
    %dma_wait3A_65 = arith.constant 0 : i32
    %dma_wait3A_66 = tpu.memref_slice %arg2[%dma_wait3A_57, %dma_wait3A_64, %dma_wait3A_65] : memref<4x256x8192xf32, #tpu.memory_space<vmem>> -> memref<1x256x8192xf32, #tpu.memory_space<vmem>>
    %dma_wait3A_67 = tpu.memref_squeeze %dma_wait3A_66 : memref<1x256x8192xf32, #tpu.memory_space<vmem>> -> memref<256x8192xf32, #tpu.memory_space<vmem>>
    tpu.wait_dma2 semaphore(%dma_wait3A_60 : memref<!tpu.dma_semaphore, #tpu.memory_space<semaphore_mem>>) src(%dma_wait3A_67 : memref<256x8192xf32, #tpu.memory_space<vmem>>) dst(%dma_wait3A_63 : memref<256x8192xf32, #tpu.memory_space<any>>)
    %dma_wait3A_68 = arith.constant 3 : i32
    %dma_wait3A_69 = arith.constant 3 : i32
    %dma_wait3A_70 = tpu.memref_slice %arg4[%dma_wait3A_69] : memref<4x!tpu.dma_semaphore, #tpu.memory_space<semaphore_mem>> -> memref<1x!tpu.dma_semaphore, #tpu.memory_space<semaphore_mem>>
    %dma_wait3A_71 = tpu.memref_squeeze %dma_wait3A_70 : memref<1x!tpu.dma_semaphore, #tpu.memory_space<semaphore_mem>> -> memref<!tpu.dma_semaphore, #tpu.memory_space<semaphore_mem>>
    %dma_wait3A_72 = arith.constant 7936 : i32
    %dma_wait3A_73 = arith.constant 0 : i32
    %dma_wait3A_74 = tpu.memref_slice %arg1[%dma_wait3A_72, %dma_wait3A_73] : memref<8192x8192xf32, #tpu.memory_space<any>> -> memref<256x8192xf32, #tpu.memory_space<any>>
    %dma_wait3A_75 = arith.constant 0 : i32
    %dma_wait3A_76 = arith.constant 0 : i32
    %dma_wait3A_77 = tpu.memref_slice %arg2[%dma_wait3A_68, %dma_wait3A_75, %dma_wait3A_76] : memref<4x256x8192xf32, #tpu.memory_space<vmem>> -> memref<1x256x8192xf32, #tpu.memory_space<vmem>>
    %dma_wait3A_78 = tpu.memref_squeeze %dma_wait3A_77 : memref<1x256x8192xf32, #tpu.memory_space<vmem>> -> memref<256x8192xf32, #tpu.memory_space<vmem>>
    tpu.wait_dma2 semaphore(%dma_wait3A_71 : memref<!tpu.dma_semaphore, #tpu.memory_space<semaphore_mem>>) src(%dma_wait3A_78 : memref<256x8192xf32, #tpu.memory_space<vmem>>) dst(%dma_wait3A_74 : memref<256x8192xf32, #tpu.memory_space<any>>)
    return
  }
}

</mosaic_0001>

<sc_bundles>
// kernel: kernel.4.cloned.1.call-start
scs
__scs_entry_jumppad:
0x0: {  	(pc) =	sbr.rel $0x88, $3  }
0x1: {  	(tag) =	ssettag $0x0;
	lr =	simm.s32 $0x1  }
0x2: {  	[smem:$0x3F9E] =	sst lr;
	_ =	strace $0xD0000000  }
0x3: {  	_ = 	snop  }
0x4: {  	_ = 	snop  }
0x5: {  	_ = 	snop  }
0x6: {  	_ = 	snop  }
0x7: {  	_ = 	snop  }
__scs_overlays_trampoline_lowered:
0x8: {  	[smem:$0x3FAD] =	sst s0  }
0x9: {  	[smem:$0x3FAE] =	sst s1  }
0xa: {  	[smem:$0x3FAF] =	sst s2  }
0xb: {  	[smem:$0x3FB0] =	sst s3  }
0xc: {  	[smem:$0x3FB1] =	sst s4  }
0xd: {  	[smem:$0x3FB2] =	sst s5  }
0xe: {  	[smem:$0x3FB3] =	sst s6  }
0xf: {  	[smem:$0x3FB4] =	sst s7  }
0x10: {  	[smem:$0x3FB5] =	sst s8  }
0x11: {  	[smem:$0x3FB6] =	sst s9;
	s0 =	simm.s32 @!p0 $0x0  }
0x12: {  	s1 =	sld [smem:$0x3F9C];
	s0 =	simm.s32 @p0 $0x1  }
0x13: {  	[smem:$0x3FB7] =	sst s0;
	s0 =	simm.s32 @!p1 $0x0  }
0x14: {  	s2 =	sld [smem:$0x3F9B];
	s0 =	simm.s32 @p1 $0x1  }
0x15: {  	[smem:$0x3FB8] =	sst s0;
	s0 =	simm.s32 @!p2 $0x0  }
0x16: {  	s3 =	sld [smem:$0x3FDB];
	s0 =	simm.s32 @p2 $0x1  }
0x17: {  	s4 =	simm.s32 $0x1BF5;
	[smem:$0x3FBA] =	sst s0  }
0x18: {  	s0 =	sld [smem:$0x3F9D];
	_ =	swait.ge [sflag:s4], $0x0  }
0x19: {  	s7 =	sld [smem:$0x3F9E]  }
0x1a: {  	s8 =	sadd.s32 $0xFFFFE003, lr  }
0x1b: {  	s9 =	sadd.s32 $0xFFFFFEF7, lr;
	s5 =	simm.s32 $0xFFFFFFFF;
	p2 =	slt.u32 s8, $0xFFFFF086  }
0x1c: {  	p1 =	slt.u32 s9, $0xF7A;
	s5 =	simm.s32 @!p2 $0x0  }
0x1d: {  	s5 =	simm.s32 @p1 $0x1;
	p0 =	seq.s32 s7, s2  }
0x1e: {  	s7 =	smul.u32 @!p0 $0xF7A, s2;
	p2 =	seq.s32 @!p0 s5, $0x0  }
0x1f: {  	s9 =	smul.u32 $0xF7A, s1;
	s8 =	simm.s32 @!p0 $0x1BF5;
	p2 =	por !p2, p0  }
0x20: {  	[sflag:s8] =	ssyncset.s32 @!p0 $0xFFFFF086;
	s6 =	sadd.s32 @!p0 s3, s7;
	s7 =	simm.s32 @!p0 $0x108  }
0x21: {  	s3 =	sadd.s32 s3, s9;
	s6 =	sadd.s32 @!p0 $0x88, s6;
	s7 =	simm.s32 @p2 $0x1082  }
0x22: {  	[simem:s7], [sflag:s8] =	dma.local @!p0 [hbm:s6], $0xF7A  }
0x23: {  	s9 =	sor.u32 $0xD0000000, s2;
	s6 =	simm.s32 $0x108;
	_ =	swait.ge @!p0 [sflag:s8], $0x0  }
0x24: {  	s3 =	sadd.s32 $0x88, s3;
	s6 =	simm.s32 @!p1 $0x1082;
	[sflag:s4] =	ssyncset.s32 $0xFFFFF086  }
0x25: {  	[simem:s6], [sflag:s4] =	dma.local [hbm:s3], $0xF7A  }
0x26: {  	[smem:$0x3F9E] =	sst s1;
	(tag) =	ssettag s2;
	_ =	strace s9  }
0x27: {  	s1 =	sld [smem:$0x3FAE]  }
0x28: {  	s2 =	sld [smem:$0x3FAF]  }
0x29: {  	s4 =	sld [smem:$0x3FB1]  }
0x2a: {  	p0 =	seq.s32 s5, $0x0;
	s5 =	sld [smem:$0x3FB2]  }
0x2b: {  	s6 =	sld [smem:$0x3FB3]  }
0x2c: {  	s7 =	sld [smem:$0x3FB4]  }
0x2d: {  	s3 =	simm.s32 $0x108;
	s8 =	sld [smem:$0x3FB5]  }
0x2e: {  	s3 =	simm.s32 @!p0 $0x1082;
	s9 =	sld [smem:$0x3FB6]  }
0x2f: {  	lr =	sadd.s32 s0, s3;
	s0 =	sld [smem:$0x3FAD]  }
0x30: {  	s3 =	sld [smem:$0x3FB0]  }
0x31: {  	[smem:$0x3FB9] =	sst s10  }
0x32: {  	s10 =	sld [smem:$0x3FB7];
	_ =	sdelay $0x3  }
0x33: {  	p0 =	seq.s32 s10, $0x1;
	s10 =	sld [smem:$0x3FB9];
	_ =	sdelay $0x3  }
0x34: {  	[smem:$0x3FB9] =	sst s10  }
0x35: {  	s10 =	sld [smem:$0x3FB8];
	_ =	sdelay $0x3  }
0x36: {  	p1 =	seq.s32 s10, $0x1;
	s10 =	sld [smem:$0x3FB9];
	_ =	sdelay $0x3  }
0x37: {  	[smem:$0x3FB9] =	sst s10  }
0x38: {  	s10 =	sld [smem:$0x3FBA]  }
0x39: {  	_ = 	snop;
	(pc) =	sbr.ind lr, $3  }
0x3a: {  	_ = 	snop  }
0x3b: {  	_ = 	snop  }
0x3c: {  	p2 =	seq.s32 s10, $0x1;
	s10 =	sld [smem:$0x3FB9]  }
0x3d: {  	_ =	shalt  }
0x3e: {  	_ =	shalt  }
0x3f: {  	_ =	shalt  }
0x40: {  	_ =	shalt  }
0x41: {  	_ =	shalt  }
0x42: {  	_ =	shalt  }
0x43: {  	_ =	shalt  }
0x44: {  	_ =	shalt  }
0x45: {  	_ =	shalt  }
0x46: {  	_ =	shalt  }
0x47: {  	_ =	shalt  }
0x48: {  	_ =	shalt  }
0x49: {  	_ =	shalt  }
0x4a: {  	_ =	shalt  }
0x4b: {  	_ =	shalt  }
0x4c: {  	_ =	shalt  }
0x4d: {  	_ =	shalt  }
0x4e: {  	_ =	shalt  }
0x4f: {  	_ =	shalt  }
0x50: {  	_ =	shalt  }
0x51: {  	_ =	shalt  }
0x52: {  	_ =	shalt  }
0x53: {  	_ =	shalt  }
0x54: {  	_ =	shalt  }
0x55: {  	_ =	shalt  }
0x56: {  	_ =	shalt  }
0x57: {  	_ =	shalt  }
0x58: {  	_ =	shalt  }
0x59: {  	_ =	shalt  }
0x5a: {  	_ =	shalt  }
0x5b: {  	_ =	shalt  }
0x5c: {  	_ =	shalt  }
0x5d: {  	_ =	shalt  }
0x5e: {  	_ =	shalt  }
0x5f: {  	_ =	shalt  }
0x60: {  	_ =	shalt  }
0x61: {  	_ =	shalt  }
0x62: {  	_ =	shalt  }
0x63: {  	_ =	shalt  }
0x64: {  	_ =	shalt  }
0x65: {  	_ =	shalt  }
0x66: {  	_ =	shalt  }
0x67: {  	_ =	shalt  }
0x68: {  	_ =	shalt  }
0x69: {  	_ =	shalt  }
0x6a: {  	_ =	shalt  }
0x6b: {  	_ =	shalt  }
0x6c: {  	_ =	shalt  }
0x6d: {  	_ =	shalt  }
0x6e: {  	_ =	shalt  }
0x6f: {  	_ =	shalt  }
0x70: {  	_ =	shalt  }
0x71: {  	_ =	shalt  }
0x72: {  	_ =	shalt  }
0x73: {  	_ =	shalt  }
0x74: {  	_ =	shalt  }
0x75: {  	_ =	shalt  }
0x76: {  	_ =	shalt  }
0x77: {  	_ =	shalt  }
0x78: {  	_ =	shalt  }
0x79: {  	_ =	shalt  }
0x7a: {  	_ =	shalt  }
0x7b: {  	_ =	shalt  }
0x7c: {  	_ =	shalt  }
0x7d: {  	_ =	shalt  }
0x7e: {  	_ =	shalt  }
0x7f: {  	_ =	shalt  }
0x80: {  	_ =	shalt  }
0x81: {  	_ =	shalt  }
0x82: {  	_ =	shalt  }
0x83: {  	_ =	shalt  }
0x84: {  	_ =	shalt  }
0x85: {  	_ =	shalt  }
0x86: {  	_ =	shalt  }
0x87: {  	_ =	shalt  }
.Lfunc_end0:
.L_simem_size_0:
called_computation_lowered:
.L_overlay_start_0:
0x88: {  	s0 =	sld [smem:$0x3FD9]  }
0x89: {  	s1 =	sld [smem:$0x3FFE];
	_ =	sdelay $0x3  }
0x8a: {  	s0 =	sadd.s32 s1, s0  }
0x8b: {  	[smem:$0x3FC5] =	sst s0  }
0x8c: {  	_ = 	snop  }
0x8d: {  	s0 =	sld [smem:$0x3FD0];
	_ =	sdelay $0x1  }
0x8e: {  	s14 =	sld [smem:$0x3FC8]  }
0x8f: {  	s3 =	simm.s32 $0xA;
	s4 =	simm.s32 $0x10;
	s2 =	sld [smem:$0x3FC7]  }
0x90: {  	[smem:s4], [sflag:s3] =	dma.local [hbm:s0], $0x1  }
0x91: {  	_ =	swait.eq [sflag:s3], $0x1  }
0x92: {  	[sflag:s3] =	ssyncset.done $0x0  }
0x93: {  	[sflag:s3] =	ssyncadd.s32 $0xFFFFFFFF  }
0x94: {  	s15 =	sld [smem:$0x11];
	(tm) =	ssettm $0x1  }
0x95: {  	s16 =	sld [smem:$0x3FFB];
	_ =	sdelay $0x3  }
0x96: {  	_ =	strace s16  }
0x97: {  	s3 =	sld [smem:$0x3FFC];
	_ =	sdelay $0x3  }
0x98: {  	_ =	strace s3  }
0x99: {  	s3 =	sld [smem:$0x3FFD];
	_ =	sdelay $0x3  }
0x9a: {  	_ =	strace s3  }
0x9b: {  	_ =	strace $0x8FFFFFFF  }
0x9c: {  	s17 =	sld [smem:$0x3FDB];
	_ =	sdelay $0x1  }
0x9d: {  	s18 =	simm.s32 $_scs_section_size  }
0x9e: {  	s5 =	simm.s32 $_size__tile_overlayer_lowered;
	s6 =	simm.s32 $_tile_overlayer_lowered  }
0x9f: {  	s21 =	simm.s32 $0x1BFF;
	s20 =	sshll.u32 s6, $0x1;
	s3 =	sadd.s32 s18, s17  }
0xa0: {  	s7 =	simm.s32 $0x0;
	s19 =	sshll.u32 s5, $0x1;
	s5 =	sadd.s32 s20, s3  }
0xa1: {  	[timem:s7], [sflag:s21] =	dma.local [hbm:s5], s19  }
0xa2: {  	_ =	swait.ge [sflag:s21], s19  }
0xa3: {  	s4 =	ssub.s32 $0x0, s19;
	[sflag:s21] =	ssyncset.done $0x0  }
0xa4: {  	[sflag:s21] =	ssyncadd.s32 s4;
	_ =	sdelay $0x1  }
0xa5: {  	s22 =	simm.s32 $0x1B8B  }
0xa6: {  	_ =	swait.ge [sflag:s22], $0x1  }
0xa7: {  	[sflag:s22] =	ssyncset.done $0x0  }
0xa8: {  	s23 =	simm.s32 $0x1B8E;
	[sflag:s22] =	ssyncadd.s32 $0xFFFFFFFF  }
0xa9: {  	s24 =	simm.s32 $execute0_lowered;
	[smem:$0x3FD2] =	sst s23  }
0xaa: {  	s4 =	sshll.u32 s24, $0x1;
	_ =	strace $0x80000046;
	[dreg:$0x1] =	wrdreg $0xFFFFFFFF  }
0xab: {  	s25 =	simm.s32 $_size_execute0_lowered;
	s3 =	sadd.s32 s3, s4;
	[dreg:$0x0] =	wrdreg $0x0  }
0xac: {  	s4 =	sshll.u32 s25, $0x1;
	[dreg:$0x2] =	wrdreg s3  }
0xad: {  	[dreg:$0x3] =	wrdreg s4  }
0xae: {  	[dreg:$0x4] =	wrdreg $0xC0  }
0xaf: {  	_ =	task [dreg:s7], $0x5FFFF  }
0xb0: {  	[dreg:$0x1] =	wrdreg $0xFFFFFFFF  }
0xb1: {  	[dreg:$0x0] =	wrdreg $0x60  }
0xb2: {  	[dreg:$0x2] =	wrdreg s14  }
0xb3: {  	[dreg:$0x3] =	wrdreg s2  }
0xb4: {  	[dreg:$0x4] =	wrdreg s15  }
0xb5: {  	[dreg:$0x5] =	wrdreg $0x9  }
0xb6: {  	_ =	task.clear_ibuf [dreg:s7], $0x6FFFF;
	_ =	strace $0x90000046  }
0xb7: {  	s26 =	simm.s32 $0x9;
	_ =	strace $0x80000048  }
0xb8: {  	_ =	swait.ge [sflag:s26], $0x1  }
0xb9: {  	[sflag:s26] =	ssyncadd.s32 $0xFFFFFFFF  }
0xba: {  	_ =	strace $0x90000048  }
0xbb: {  	_ =	sfence  }
0xbc: {  	s28 =	sld [smem:$0x0];
	_ =	sdelay $0x1  }
0xbd: {  	s29 =	srdreg.scid  }
0xbe: {  	s30 =	sshll.u32 s29, $0xD;
	s31 =	sshrl.u32 s29, $0x2  }
0xbf: {  	s1 =	sand.u32 $0x1, s29;
	s2 =	sand.u32 $0x4000, s30;
	s0 =	sadd.s32 s31, s28  }
0xc0: {  	s1 =	sor.u32 s2, s1;
	s0 =	sshll.u32 s0, $0x11  }
0xc1: {  	s0 =	sor.u32 s0, s1  }
0xc2: {  	s0 =	sadd.s32 $0x8F2B, s0  }
0xc3: {  	[sflag:s0] =	ssyncadd.remote.s32 $0x1  }
0xc4: {  	_ =	sfence.sel $0xFFFF  }
0xc5: {  	[dreg:$0x0] =	wrdreg $0xFFFFFFFF;
	(pc) =	sbr.abs _section_cstart, $3  }
0xc6: {  	[dreg:$0x1] =	wrdreg $0xFFFFFFFF  }
0xc7: {  	_ =	task.clear_ibuf [dreg:s7], $0x2FFFF;
	_ =	strace $0x9FFFFFFF  }
0xc8: {  	(tm) =	ssettm $0x7FFFFFFF  }
0xc9: {  	_ =	shalt  }
tec
execute0_lowered:
.L_overlay_start_1:
0x0: {  	(tag) =	ssettag $0x1  }
0x1: {  	s1 =	stileid.u32  }
0x2: {  	p0 =	sgt.u32 s1, $0x7  }
.Ltmp0:
0x3: {  	s4 =	rddreg [dreg:$0x0];
	(pc) =	sbr.rel @p0 .LBB2_1-.Ltmp0, $4  }
0x4: {  	s5 =	rddreg [dreg:$0x1]  }
0x5: {  	s3 =	rddreg [dreg:$0x2];
	s2 =	simm.s32 $0x0  }
0x6: {  	[smem:$0x7FF] =	sst s2  }
0x7: {  	s0 =	rddreg [dreg:$0x3];
	s6 =	sshll.u32 s1, $0xE;
	_ =	strace $0x80000047  }
0x8: {  	s7 =	sshll.u32 s1, $0x6  }
0x9: {  	s4 =	sadd.s32 s6, s4;
	s6 =	simm.s32 $0x2;
	s8 =	simm.s32 $0x880  }
0xa: {  	s9 =	simm.s32 $0x1080;
	s10 =	simm.s32 $0x1880;
	s11 =	simm.s32 $0x2080  }
0xb: {  	s12 =	simm.s32 $0x2880;
	s13 =	simm.s32 $0x3080;
	s14 =	simm.s32 $0x3880  }
0xc: {  	s15 =	simm.s32 $0x4080;
	s16 =	simm.s32 $0x4880;
	s17 =	simm.s32 $0x5080  }
0xd: {  	v2 =	vlaneseq.u32;
	s18 =	simm.s32 $0x5880;
	s19 =	simm.s32 $0x6080;
	s20 =	simm.s32 $0x6880  }
0xe: {  	s21 =	simm.s32 $0x7080;
	vm0 =	vmmov $0xffff;
	s22 =	simm.s32 $0x7880;
	s23 =	simm.s32 $0x1;
	v1 =	vshrl.u32 v2, $0x3  }
0xf: {  	s24 =	simm.s32 $0x0;
	s5 =	sadd.s32 s7, s5;
	s7 =	simm.s32 $0x80;
	v0 =	vand.u32 $0x7, v2;
	v2 =	vor.u32 $0x8, v2;
	v1 =	vmul.u32 $0x8, v1  }
.LBB2_5:
0x10: {  	s25 =	sadd.s32 s24, s5  }
0x11: {  	[tilespmem:s2], [sflag:$0x2] =	stream.linear.gather [hbm4b:s25+s2], $0x80, $0x38;
	[tilespmem:$0x8080] =	vst v63  }
0x12: {  	_ =	swait.ge [sflag:s6], $0x80  }
0x13: {  	[sflag:s6] =	ssyncset.done $0x0  }
0x14: {  	[sflag:s6] =	ssyncadd.s32 $0xFFFFFF80  }
0x15: {  	[tilespmem:s7], [sflag:$0x2] =	stream.linear.gather [hbm4b:s4+s2], $0x8000, $0x38;
	[tilespmem:$0x8080] =	vst v63  }
0x16: {  	_ =	swait.ge [sflag:s6], $0x8000  }
0x17: {  	[sflag:s6] =	ssyncset.done $0x0  }
0x18: {  	[sflag:s6] =	ssyncadd.s32 $0xFFFF8000  }
0x19: {  	v3 =	vld [tilespmem:$0x0];
	_ =	sdelay $0x4  }
0x1a: {  	v4 =	vshll.u32 v3, $0x1  }
0x1b: {  	v3 =	vand.u32 $0x7, v3;
	v4 =	vand.u32 $0xFFFFFFF0, v4  }
0x1c: {  	v3 =	vor.u32 v3, v4  }
0x1d: {  	v4 =	vperm.xlane v3, v0;
	_ =	sdelay $0x1  }
0x1e: {  	v3 =	vperm.xlane v3, v2;
	v4 =	vadd.s32 v1, v4;
	_ =	sdelay $0x1  }
0x1f: {  	v3 =	vadd.s32 v1, v3;
	_ =	sdelay $0x2  }
0x20: {  	[hbm4b:s3+s2] =	stream.indirect_vreg.scatter [tilespmem:s7], [sflag:$0x1], $0x80, v4, vm0, $0xb8;
	[tilespmem:$0x8080] =	vst v63  }
0x21: {  	_ = 	snop  }
0x22: {  	[hbm4b:s3+s2] =	stream.indirect_vreg.scatter [tilespmem:s8], [sflag:$0x1], $0x80, v3, vm0, $0xb8;
	[tilespmem:$0x8080] =	vst v63  }
0x23: {  	v3 =	vld [tilespmem:$0x10];
	_ =	sdelay $0x4  }
0x24: {  	v57 =	vshll.u32 v3, $0x1  }
0x25: {  	v3 =	vand.u32 $0x7, v3;
	v4 =	vand.u32 $0xFFFFFFF0, v57  }
0x26: {  	v3 =	vor.u32 v3, v4  }
0x27: {  	v4 =	vperm.xlane v3, v0;
	_ =	sdelay $0x1  }
0x28: {  	v3 =	vperm.xlane v3, v2;
	v4 =	vadd.s32 v1, v4;
	_ =	sdelay $0x1  }
0x29: {  	v3 =	vadd.s32 v1, v3;
	_ =	sdelay $0x2  }
0x2a: {  	[hbm4b:s3+s2] =	stream.indirect_vreg.scatter [tilespmem:s9], [sflag:$0x1], $0x80, v4, vm0, $0xb8;
	[tilespmem:$0x8080] =	vst v63  }
0x2b: {  	_ = 	snop  }
0x2c: {  	[hbm4b:s3+s2] =	stream.indirect_vreg.scatter [tilespmem:s10], [sflag:$0x1], $0x80, v3, vm0, $0xb8;
	[tilespmem:$0x8080] =	vst v63  }
0x2d: {  	v3 =	vld [tilespmem:$0x20];
	_ =	sdelay $0x4  }
0x2e: {  	v58 =	vshll.u32 v3, $0x1  }
0x2f: {  	v3 =	vand.u32 $0x7, v3;
	v4 =	vand.u32 $0xFFFFFFF0, v58  }
0x30: {  	v3 =	vor.u32 v3, v4  }
0x31: {  	v4 =	vperm.xlane v3, v0;
	_ =	sdelay $0x1  }
0x32: {  	v3 =	vperm.xlane v3, v2;
	v4 =	vadd.s32 v1, v4;
	_ =	sdelay $0x1  }
0x33: {  	v3 =	vadd.s32 v1, v3;
	_ =	sdelay $0x2  }
0x34: {  	[hbm4b:s3+s2] =	stream.indirect_vreg.scatter [tilespmem:s11], [sflag:$0x1], $0x80, v4, vm0, $0xb8;
	[tilespmem:$0x8080] =	vst v63  }
0x35: {  	_ = 	snop  }
0x36: {  	[hbm4b:s3+s2] =	stream.indirect_vreg.scatter [tilespmem:s12], [sflag:$0x1], $0x80, v3, vm0, $0xb8;
	[tilespmem:$0x8080] =	vst v63  }
0x37: {  	v3 =	vld [tilespmem:$0x30];
	_ =	sdelay $0x4  }
0x38: {  	v59 =	vshll.u32 v3, $0x1  }
0x39: {  	v3 =	vand.u32 $0x7, v3;
	v4 =	vand.u32 $0xFFFFFFF0, v59  }
0x3a: {  	v3 =	vor.u32 v3, v4  }
0x3b: {  	v4 =	vperm.xlane v3, v0;
	_ =	sdelay $0x1  }
0x3c: {  	v3 =	vperm.xlane v3, v2;
	v4 =	vadd.s32 v1, v4;
	_ =	sdelay $0x1  }
0x3d: {  	v3 =	vadd.s32 v1, v3;
	_ =	sdelay $0x2  }
0x3e: {  	[hbm4b:s3+s2] =	stream.indirect_vreg.scatter [tilespmem:s13], [sflag:$0x1], $0x80, v4, vm0, $0xb8;
	[tilespmem:$0x8080] =	vst v63  }
0x3f: {  	_ = 	snop  }
0x40: {  	[hbm4b:s3+s2] =	stream.indirect_vreg.scatter [tilespmem:s14], [sflag:$0x1], $0x80, v3, vm0, $0xb8;
	[tilespmem:$0x8080] =	vst v63  }
0x41: {  	v3 =	vld [tilespmem:$0x40];
	_ =	sdelay $0x4  }
0x42: {  	v60 =	vshll.u32 v3, $0x1  }
0x43: {  	v3 =	vand.u32 $0x7, v3;
	v4 =	vand.u32 $0xFFFFFFF0, v60  }
0x44: {  	v3 =	vor.u32 v3, v4  }
0x45: {  	v4 =	vperm.xlane v3, v0;
	_ =	sdelay $0x1  }
0x46: {  	v3 =	vperm.xlane v3, v2;
	v4 =	vadd.s32 v1, v4;
	_ =	sdelay $0x1  }
0x47: {  	v3 =	vadd.s32 v1, v3;
	_ =	sdelay $0x2  }
0x48: {  	[hbm4b:s3+s2] =	stream.indirect_vreg.scatter [tilespmem:s15], [sflag:$0x1], $0x80, v4, vm0, $0xb8;
	[tilespmem:$0x8080] =	vst v63  }
0x49: {  	_ = 	snop  }
0x4a: {  	[hbm4b:s3+s2] =	stream.indirect_vreg.scatter [tilespmem:s16], [sflag:$0x1], $0x80, v3, vm0, $0xb8;
	[tilespmem:$0x8080] =	vst v63  }
0x4b: {  	v3 =	vld [tilespmem:$0x50];
	_ =	sdelay $0x4  }
0x4c: {  	v61 =	vshll.u32 v3, $0x1  }
0x4d: {  	v3 =	vand.u32 $0x7, v3;
	v4 =	vand.u32 $0xFFFFFFF0, v61  }
0x4e: {  	v3 =	vor.u32 v3, v4  }
0x4f: {  	v4 =	vperm.xlane v3, v0;
	_ =	sdelay $0x1  }
0x50: {  	v3 =	vperm.xlane v3, v2;
	v4 =	vadd.s32 v1, v4;
	_ =	sdelay $0x1  }
0x51: {  	v3 =	vadd.s32 v1, v3;
	_ =	sdelay $0x2  }
0x52: {  	[hbm4b:s3+s2] =	stream.indirect_vreg.scatter [tilespmem:s17], [sflag:$0x1], $0x80, v4, vm0, $0xb8;
	[tilespmem:$0x8080] =	vst v63  }
0x53: {  	_ = 	snop  }
0x54: {  	[hbm4b:s3+s2] =	stream.indirect_vreg.scatter [tilespmem:s18], [sflag:$0x1], $0x80, v3, vm0, $0xb8;
	[tilespmem:$0x8080] =	vst v63  }
0x55: {  	v3 =	vld [tilespmem:$0x60];
	_ =	sdelay $0x4  }
0x56: {  	v62 =	vshll.u32 v3, $0x1  }
0x57: {  	v3 =	vand.u32 $0x7, v3;
	v4 =	vand.u32 $0xFFFFFFF0, v62  }
0x58: {  	v3 =	vor.u32 v3, v4  }
0x59: {  	v4 =	vperm.xlane v3, v0;
	_ =	sdelay $0x1  }
0x5a: {  	v3 =	vperm.xlane v3, v2;
	v4 =	vadd.s32 v1, v4;
	_ =	sdelay $0x1  }
0x5b: {  	v3 =	vadd.s32 v1, v3;
	_ =	sdelay $0x2  }
0x5c: {  	[hbm4b:s3+s2] =	stream.indirect_vreg.scatter [tilespmem:s19], [sflag:$0x1], $0x80, v4, vm0, $0xb8;
	[tilespmem:$0x8080] =	vst v63  }
0x5d: {  	_ = 	snop  }
0x5e: {  	[hbm4b:s3+s2] =	stream.indirect_vreg.scatter [tilespmem:s20], [sflag:$0x1], $0x80, v3, vm0, $0xb8;
	[tilespmem:$0x8080] =	vst v63  }
0x5f: {  	v3 =	vld [tilespmem:$0x70];
	_ =	sdelay $0x4  }
0x60: {  	v63 =	vshll.u32 v3, $0x1  }
0x61: {  	v3 =	vand.u32 $0x7, v3;
	v4 =	vand.u32 $0xFFFFFFF0, v63  }
0x62: {  	v3 =	vor.u32 v3, v4  }
0x63: {  	v4 =	vperm.xlane v3, v0;
	_ =	sdelay $0x1  }
0x64: {  	v3 =	vperm.xlane v3, v2;
	v4 =	vadd.s32 v1, v4;
	_ =	sdelay $0x1  }
0x65: {  	v3 =	vadd.s32 v1, v3;
	_ =	sdelay $0x1  }
0x66: {  	p0 =	seq.s32 s24, $0x30  }
0x67: {  	[hbm4b:s3+s2] =	stream.indirect_vreg.scatter [tilespmem:s21], [sflag:$0x1], $0x80, v4, vm0, $0xb8;
	[tilespmem:$0x8080] =	vst v63  }
.Ltmp1:
0x68: {  	_ = 	snop;
	(pc) =	sbr.rel @!p0 .LBB2_5-.Ltmp1, $4  }
0x69: {  	[hbm4b:s3+s2] =	stream.indirect_vreg.scatter [tilespmem:s22], [sflag:$0x1], $0x80, v3, vm0, $0xb8;
	[tilespmem:$0x8080] =	vst v63  }
0x6a: {  	_ =	swait.ge [sflag:s23], $0x8000  }
0x6b: {  	[sflag:s23] =	ssyncset.done $0x0  }
0x6c: {  	s24 =	sadd.s32 $0x10, s24;
	s4 =	sadd.s32 $0x1000, s4;
	[sflag:s23] =	ssyncadd.s32 $0xFFFF8000  }
.Ltmp2:
0x6d: {  	_ = 	snop;
	(pc) =	sbr.rel .LBB2_6-.Ltmp2, $1  }
0x6e: {  	_ =	sdelay $0x3  }
.LBB2_1:
0x6f: {  	s4 =	sand.u32 $0x7800, s2;
	s31 =	sand.u32 $0x380, s2  }
0x70: {  	v0 =	vimm.f32 $0.0e+00;
	s2 =	sor.u32 s31, s4  }
0x71: {  	[tilespmem:s2+$0x4F0] =	vst v0  }
0x72: {  	[tilespmem:s2+$0x80] =	vst v0  }
0x73: {  	[tilespmem:s2+$0x90] =	vst v0  }
0x74: {  	[tilespmem:s2+$0xA0] =	vst v0  }
0x75: {  	[tilespmem:s2+$0xB0] =	vst v0  }
0x76: {  	[tilespmem:s2+$0xC0] =	vst v0  }
0x77: {  	[tilespmem:s2+$0xD0] =	vst v0  }
0x78: {  	[tilespmem:s2+$0xE0] =	vst v0  }
0x79: {  	[tilespmem:s2+$0xF0] =	vst v0  }
0x7a: {  	[tilespmem:s2+$0x480] =	vst v0  }
0x7b: {  	[tilespmem:s2+$0x490] =	vst v0  }
0x7c: {  	[tilespmem:s2+$0x4A0] =	vst v0  }
0x7d: {  	[tilespmem:s2+$0x4B0] =	vst v0  }
0x7e: {  	s3 =	sadd.s32 s3, s6;
	s5 =	simm.s32 $0x100;
	s4 =	simm.s32 $0x80;
	[tilespmem:s2+$0x4C0] =	vst v0  }
0x7f: {  	s6 =	sand.u32 $0x7800, s5;
	s5 =	simm.s32 $0x200;
	s7 =	sand.u32 $0x380, s4;
	[tilespmem:s2+$0x4D0] =	vst v0  }
.LBB2_2:
0x80: {  	p0 =	seq.s32 s5, $0x7F00;
	[tilespmem:s2+$0x4E0] =	vst v0;
	s2 =	sor.u32 s7, s6  }
0x81: {  	[tilespmem:s2+$0x4F0] =	vst v0  }
0x82: {  	[tilespmem:s2+$0x80] =	vst v0  }
0x83: {  	[tilespmem:s2+$0x90] =	vst v0  }
0x84: {  	[tilespmem:s2+$0xA0] =	vst v0  }
0x85: {  	[tilespmem:s2+$0xB0] =	vst v0  }
0x86: {  	[tilespmem:s2+$0xC0] =	vst v0  }
0x87: {  	[tilespmem:s2+$0xD0] =	vst v0  }
0x88: {  	[tilespmem:s2+$0xE0] =	vst v0  }
0x89: {  	[tilespmem:s2+$0xF0] =	vst v0  }
0x8a: {  	[tilespmem:s2+$0x480] =	vst v0  }
.Ltmp3:
0x8b: {  	[tilespmem:s2+$0x490] =	vst v0;
	(pc) =	sbr.rel @!p0 .LBB2_2-.Ltmp3, $4  }
0x8c: {  	[tilespmem:s2+$0x4A0] =	vst v0  }
0x8d: {  	[tilespmem:s2+$0x4B0] =	vst v0  }
0x8e: {  	s4 =	sadd.s32 $0x80, s4;
	[tilespmem:s2+$0x4C0] =	vst v0  }
0x8f: {  	s6 =	sand.u32 $0x7800, s5;
	s5 =	sadd.s32 $0x100, s5;
	s7 =	sand.u32 $0x380, s4;
	[tilespmem:s2+$0x4D0] =	vst v0  }
0x90: {  	s4 =	sor.u32 s7, s6;
	[tilespmem:s2+$0x4E0] =	vst v0  }
0x91: {  	[tilespmem:s4+$0x4F0] =	vst v0  }
0x92: {  	[tilespmem:s4+$0x80] =	vst v0  }
0x93: {  	[tilespmem:s4+$0x90] =	vst v0  }
0x94: {  	[tilespmem:s4+$0xA0] =	vst v0  }
0x95: {  	[tilespmem:s4+$0xB0] =	vst v0  }
0x96: {  	[tilespmem:s4+$0xC0] =	vst v0  }
0x97: {  	[tilespmem:s4+$0xD0] =	vst v0  }
0x98: {  	[tilespmem:s4+$0xE0] =	vst v0  }
0x99: {  	[tilespmem:s4+$0xF0] =	vst v0  }
0x9a: {  	[tilespmem:s4+$0x480] =	vst v0  }
0x9b: {  	[tilespmem:s4+$0x490] =	vst v0  }
0x9c: {  	[tilespmem:s4+$0x4A0] =	vst v0  }
0x9d: {  	[tilespmem:s4+$0x4B0] =	vst v0  }
0x9e: {  	[tilespmem:s4+$0x4C0] =	vst v0  }
0x9f: {  	[tilespmem:s4+$0x4D0] =	vst v0  }
0xa0: {  	s26 =	simm.s32 $0x0;
	s28 =	simm.s32 $0x80;
	s5 =	simm.s32 $0x2;
	[tilespmem:s4+$0x4E0] =	vst v0  }
0xa1: {  	[hbm4b:s3+s26] =	stream.linear.scatter [tilespmem:s28], [sflag:$0x2], $0x8000, $0x38;
	[tilespmem:$0x8080] =	vst v63  }
0xa2: {  	_ =	swait.ge [sflag:s5], $0x8000  }
0xa3: {  	[sflag:s5] =	ssyncset.done $0x0  }
0xa4: {  	s29 =	sadd.s32 $0x1000, s3;
	[sflag:s5] =	ssyncadd.s32 $0xFFFF8000  }
0xa5: {  	[hbm4b:s29+s26] =	stream.linear.scatter [tilespmem:s28], [sflag:$0x2], $0x8000, $0x38;
	[tilespmem:$0x8080] =	vst v63  }
0xa6: {  	_ =	swait.ge [sflag:s5], $0x8000  }
0xa7: {  	[sflag:s5] =	ssyncset.done $0x0  }
0xa8: {  	s30 =	sadd.s32 $0x2000, s3;
	[sflag:s5] =	ssyncadd.s32 $0xFFFF8000  }
0xa9: {  	[hbm4b:s30+s26] =	stream.linear.scatter [tilespmem:s28], [sflag:$0x2], $0x8000, $0x38;
	[tilespmem:$0x8080] =	vst v63  }
0xaa: {  	_ =	swait.ge [sflag:s5], $0x8000  }
0xab: {  	[sflag:s5] =	ssyncset.done $0x0  }
0xac: {  	s31 =	sadd.s32 $0x3000, s3;
	[sflag:s5] =	ssyncadd.s32 $0xFFFF8000  }
0xad: {  	[hbm4b:s31+s26] =	stream.linear.scatter [tilespmem:s28], [sflag:$0x2], $0x8000, $0x38;
	[tilespmem:$0x8080] =	vst v63  }
0xae: {  	_ =	swait.ge [sflag:s5], $0x8000  }
0xaf: {  	[sflag:s5] =	ssyncset.done $0x0  }
0xb0: {  	[sflag:s5] =	ssyncadd.s32 $0xFFFF8000  }
.LBB2_6:
0xb1: {  	_ =	sfence.sel $0x180000  }
0xb2: {  	[bflag:$0x0] =	sbarrier.arrive $0xFFFF  }
0xb3: {  	p0 =	sne.s32 s1, $0x0;
	_ =	strace $0x90000047  }
0xb4: {  	s0 =	sadd.s32 @!p0 $0x100000, s0;
	[bflag:$0x2] =	sbarrier.arrive $0xFFFF  }
0xb5: {  	[sflag:s0] =	ssyncadd.tile.s32 @!p0 $0x1;
	_ =	shalt  }
.Lfunc_end2:
_tile_overlayer_lowered:
.L_overlay_start_2:
0xb6: {  	(tag) =	ssettag $0x2  }
0xb7: {  	s0 =	rddreg [dreg:$0x0];
	s2 =	stileid.u32  }
0xb8: {  	s1 =	rddreg [dreg:$0x1];
	p0 =	sne.s32 s2, $0x0  }
0xb9: {  	s3 =	rddreg [dreg:$0x2];
	[bflag:$0x3] =	sbarrier.arrive $0xFFFF;
	s2 =	simm.s32 @!p0 $0x1C02  }
0xba: {  	[timem:s3], [sflag:s2] =	dma.local @!p0 [hbm:s0], s1  }
0xbb: {  	s0 =	simm.s32 @!p0 $0x2  }
0xbc: {  	_ =	swait.ge @!p0 [sflag:s0], s1  }
0xbd: {  	s1 =	ssub.s32 @!p0 $0x0, s1;
	[sflag:s0] =	ssyncset.done @!p0 $0x0  }
0xbe: {  	[sflag:s0] =	ssyncadd.s32 @!p0 s1  }
0xbf: {  	[bflag:$0x3] =	sbarrier.arrive $0xFFFF  }
0xc0: {  	_ =	shalt  }

</sc_bundles>
